<compile_context>
chip_gen: v7x
topology: tpu7x:2x2x1
jax: 0.10.2.dev20260603
libtpu: 0.0.44.dev20260713+nightly
codegen_flags: <defaults>
</compile_context>

<pallas_src>
import functools

import jax
import jax.numpy as jnp
from jax import lax
from jax.experimental import pallas as pl
from jax.experimental.pallas import tpu as pltpu
from jax.experimental.pallas import tpu_sc as plsc

B = 16384
TOTAL = 819200
DU, DI = 64, 128
D = DU + DI
NKEY = 3
LEN_OUT = NKEY * B
OFF_OUT = LEN_OUT + 1
VCHUNK = 12800


def _dense_body(u_ref, i_ref, o1_ref, o2_ref, o3_ref,
                o_ref, len_ref, off_ref):
    o_ref[0:DU, :] = u_ref[...]
    o_ref[DU:, :] = jnp.swapaxes(i_ref[...], 0, 1)

    @pl.when(pl.program_id(0) == 0)
    def _():
        o1 = o1_ref[...]
        o2 = o2_ref[...]
        o3 = o3_ref[...]
        len_ref[pl.ds(0, B)] = o1[1:] - o1[:-1]
        len_ref[pl.ds(B, B)] = o2[1:] - o2[:-1]
        len_ref[pl.ds(2 * B, B)] = o3[1:] - o3[:-1]
        c0 = o1_ref[0:1]
        s2 = o1_ref[B:B + 1] - c0 - o2_ref[0:1]
        s3 = (o1_ref[B:B + 1] - c0 + o2_ref[B:B + 1] - o2_ref[0:1]
              - o3_ref[0:1])
        off_ref[pl.ds(0, B + 1)] = o1 - c0
        off_ref[pl.ds(B + 1, B)] = o2[1:] + s2
        off_ref[pl.ds(2 * B + 1, B)] = o3[1:] + s3


def _dense_and_meta(du, di, coff, voff, koff):
    cols = 8192
    zero = lambda j: (0,)
    out_t, lengths, offsets = pl.pallas_call(
        _dense_body,
        grid=(B // cols,),
        in_specs=[
            pl.BlockSpec((DU, cols), lambda j: (0, j)),
            pl.BlockSpec((cols, DI), lambda j: (j, 0)),
            pl.BlockSpec((B + 1,), zero),
            pl.BlockSpec((B + 1,), zero),
            pl.BlockSpec((B + 1,), zero),
        ],
        out_specs=[
            pl.BlockSpec((D, cols), lambda j: (0, j)),
            pl.BlockSpec((LEN_OUT,), zero),
            pl.BlockSpec((OFF_OUT,), zero),
        ],
        out_shape=[
            jax.ShapeDtypeStruct((D, B), jnp.float32),
            jax.ShapeDtypeStruct((LEN_OUT,), jnp.int32),
            jax.ShapeDtypeStruct((OFF_OUT,), jnp.int32),
        ],
    )(du.T, di, coff, voff, koff)
    return out_t.T, lengths, offsets


def _sc_values(cval, vval, kval):
    info = plsc.get_sparse_core_info()
    NC, NS = info.num_cores, info.num_subcores
    NW = NC * NS
    VC = TOTAL // NW
    NVB = NKEY * (VC // VCHUNK)
    vdt = cval.dtype
    mesh = plsc.VectorSubcoreMesh(core_axis_name="c", subcore_axis_name="s")

    scratch = (
        [pltpu.VMEM((VCHUNK,), vdt) for _ in range(NVB)]
        + [pltpu.SemaphoreType.DMA for _ in range(2 * NVB)]
    )

    @functools.partial(
        pl.kernel,
        out_type=jax.ShapeDtypeStruct((NKEY * TOTAL,), vdt),
        mesh=mesh,
        scratch_types=scratch,
    )
    def sc_kernel(cval_h, vval_h, kval_h, val_o, *rest):
        vbuf = list(rest[0:NVB])
        sem_r = rest[NVB:2 * NVB]
        sem_w = rest[2 * NVB:3 * NVB]

        wid = lax.axis_index("s") * NC + lax.axis_index("c")
        vals = (cval_h, vval_h, kval_h)
        vbase = wid * VC

        chunks = []
        for key in range(NKEY):
            for c in range(VC // VCHUNK):
                off = vbase + c * VCHUNK
                chunks.append((vals[key], off, key * TOTAL + off))
        reads = [pltpu.async_copy(
            src.at[pl.ds(off, VCHUNK)], vbuf[i], sem_r[i])
            for i, (src, off, _) in enumerate(chunks)]
        writes = []
        for i, (_, _, dst) in enumerate(chunks):
            reads[i].wait()
            writes.append(pltpu.async_copy(
                vbuf[i], val_o.at[pl.ds(dst, VCHUNK)], sem_w[i]))
        for h in writes:
            h.wait()

    return sc_kernel(cval, vval, kval)


def kernel(dense_user, dense_item, seq_clicks__values, seq_clicks__offsets,
           seq_views__values, seq_views__offsets, seq_cart__values,
           seq_cart__offsets):
    values = _sc_values(seq_clicks__values, seq_views__values,
                        seq_cart__values)
    dense, lengths, offsets = _dense_and_meta(
        dense_user, dense_item, seq_clicks__offsets, seq_views__offsets,
        seq_cart__offsets)
    return dense, values, lengths, offsets

# --- scband reference (transcript-rebuilt; emitter-appended) ---
"""Pipeline reference for scband-to-torch-rec-batch-35089882808365 (READ-ONLY COPY).

The authoritative reference and input builder live on the scoring server;
editing this copy changes nothing except your own understanding.
"""

import jax, jax.numpy as jnp
import numpy as np

B = 16384
TOTAL = 819200
VOCAB = 1000000

def setup_inputs(seed: int = 0) -> dict:
    key = jax.random.key(seed)
    ks = jax.random.split(key, 8)
    inp = {}
    inp['dense_user'] = jax.random.normal(ks[0], (B, 64), dtype=jnp.float32)
    inp['dense_item'] = jax.random.normal(ks[1], (B, 128), dtype=jnp.float32)
    inp['seq_clicks__values'] = jax.random.randint(ks[2], (TOTAL,), 0, VOCAB, dtype=jnp.int64) if jax.config.jax_enable_x64 else jax.random.randint(ks[2], (TOTAL,), 0, VOCAB).astype(jnp.int32)
    inp['seq_clicks__offsets'] = jnp.sort(jax.random.randint(ks[3], (B + 1,), 0, TOTAL)).astype(jnp.int32)
    inp['seq_views__values'] = jax.random.randint(ks[4], (TOTAL,), 0, VOCAB).astype(jnp.int32)
    inp['seq_views__offsets'] = jnp.sort(jax.random.randint(ks[5], (B + 1,), 0, TOTAL)).astype(jnp.int32)
    inp['seq_cart__values'] = jax.random.randint(ks[6], (TOTAL,), 0, VOCAB).astype(jnp.int32)
    inp['seq_cart__offsets'] = jnp.sort(jax.random.randint(ks[7], (B + 1,), 0, TOTAL)).astype(jnp.int32)
    return inp

def reference(dense_user, dense_item, seq_clicks__values, seq_clicks__offsets, seq_views__values, seq_views__offsets, seq_cart__values, seq_cart__offsets):
    # Dense branch: ConcatFeatures over schema's dense columns (dict order)
    dense = jnp.concatenate([dense_user, dense_item], axis=-1)
    # Jagged branch: KeyedJaggedTensor.from_jt_dict -> concat values across keys,
    # per-key lengths derived from offsets, and stacked (keyed) offsets
    len_clicks = jnp.diff(seq_clicks__offsets)
    len_views = jnp.diff(seq_views__offsets)
    len_cart = jnp.diff(seq_cart__offsets)
    kjt_values = jnp.concatenate([seq_clicks__values, seq_views__values, seq_cart__values])
    kjt_lengths = jnp.concatenate([len_clicks, len_views, len_cart])
    kjt_offsets = jnp.concatenate([jnp.zeros((1,), jnp.int32), jnp.cumsum(kjt_lengths).astype(jnp.int32)])
    return dense, kjt_values, kjt_lengths, kjt_offsets

if __name__ == "__main__":
    import jax
    _d = setup_inputs()
    print(jax.jit(kernel)(*tuple(_d.values())))

</pallas_src>

<mosaic_0001>
#map = affine_map<(d0, d1) -> (0)>
module attributes {stable_mosaic.version = 14 : i64} {
  func.func @sc_kernel(%arg0: i32, %arg1: i32, %arg2: memref<819200xi32, #tpu.memory_space<hbm>>, %arg3: memref<819200xi32, #tpu.memory_space<hbm>>, %arg4: memref<819200xi32, #tpu.memory_space<hbm>>, %arg5: memref<2457600xi32, #tpu.memory_space<hbm>>, %arg6: memref<12800xi32, #tpu.memory_space<vmem>>, %arg7: memref<12800xi32, #tpu.memory_space<vmem>>, %arg8: memref<12800xi32, #tpu.memory_space<vmem>>, %arg9: memref<12800xi32, #tpu.memory_space<vmem>>, %arg10: memref<12800xi32, #tpu.memory_space<vmem>>, %arg11: memref<12800xi32, #tpu.memory_space<vmem>>, %arg12: memref<!tpu.dma_semaphore, #tpu.memory_space<semaphore_mem>>, %arg13: memref<!tpu.dma_semaphore, #tpu.memory_space<semaphore_mem>>, %arg14: memref<!tpu.dma_semaphore, #tpu.memory_space<semaphore_mem>>, %arg15: memref<!tpu.dma_semaphore, #tpu.memory_space<semaphore_mem>>, %arg16: memref<!tpu.dma_semaphore, #tpu.memory_space<semaphore_mem>>, %arg17: memref<!tpu.dma_semaphore, #tpu.memory_space<semaphore_mem>>, %arg18: memref<!tpu.dma_semaphore, #tpu.memory_space<semaphore_mem>>, %arg19: memref<!tpu.dma_semaphore, #tpu.memory_space<semaphore_mem>>, %arg20: memref<!tpu.dma_semaphore, #tpu.memory_space<semaphore_mem>>, %arg21: memref<!tpu.dma_semaphore, #tpu.memory_space<semaphore_mem>>, %arg22: memref<!tpu.dma_semaphore, #tpu.memory_space<semaphore_mem>>, %arg23: memref<!tpu.dma_semaphore, #tpu.memory_space<semaphore_mem>>) attributes {dimension_semantics = [#tpu.dimension_semantics<core_parallel>, #tpu.dimension_semantics<subcore_parallel>], iteration_bounds = array<i64: 2, 16>, scalar_prefetch = 0 : i64, scratch_operands = 18 : i64, tpu.core_type = #tpu.core_type<sc_vector_subcore>, window_params = [{transform_indices = #map}, {transform_indices = #map}, {transform_indices = #map}, {transform_indices = #map}]} {
    %mul3A = arith.constant 2 : i32
    %mul3A_0 = arith.muli %arg1, %mul3A : i32
    %add3A = arith.addi %mul3A_0, %arg0 : i32
    %mul3A_1 = arith.constant 25600 : i32
    %mul3A_2 = arith.muli %add3A, %mul3A_1 : i32
    %add3A_3 = arith.constant 0 : i32
    %add3A_4 = arith.addi %mul3A_2, %add3A_3 : i32
    %add3A_5 = arith.constant 0 : i32
    %add3A_6 = arith.addi %add3A_5, %add3A_4 : i32
    %add3A_7 = arith.constant 12800 : i32
    %add3A_8 = arith.addi %mul3A_2, %add3A_7 : i32
    %add3A_9 = arith.constant 0 : i32
    %add3A_10 = arith.addi %add3A_9, %add3A_8 : i32
    %add3A_11 = arith.constant 0 : i32
    %add3A_12 = arith.addi %mul3A_2, %add3A_11 : i32
    %add3A_13 = arith.constant 819200 : i32
    %add3A_14 = arith.addi %add3A_13, %add3A_12 : i32
    %add3A_15 = arith.constant 12800 : i32
    %add3A_16 = arith.addi %mul3A_2, %add3A_15 : i32
    %add3A_17 = arith.constant 819200 : i32
    %add3A_18 = arith.addi %add3A_17, %add3A_16 : i32
    %add3A_19 = arith.constant 0 : i32
    %add3A_20 = arith.addi %mul3A_2, %add3A_19 : i32
    %add3A_21 = arith.constant 1638400 : i32
    %add3A_22 = arith.addi %add3A_21, %add3A_20 : i32
    %add3A_23 = arith.constant 12800 : i32
    %add3A_24 = arith.addi %mul3A_2, %add3A_23 : i32
    %add3A_25 = arith.constant 1638400 : i32
    %add3A_26 = arith.addi %add3A_25, %add3A_24 : i32
    %dma_start3A = tpu.memref_slice %arg2[%add3A_4] : memref<819200xi32, #tpu.memory_space<hbm>> -> memref<12800xi32, #tpu.memory_space<hbm>>
    %dma_start3A_27 = tpu.memref_slice %arg2[%add3A_4] : memref<819200xi32, #tpu.memory_space<hbm>> -> memref<12800xi32, #tpu.memory_space<hbm>>
    tpu.enqueue_dma source(%dma_start3A_27 : memref<12800xi32, #tpu.memory_space<hbm>>) target(%arg6 : memref<12800xi32, #tpu.memory_space<vmem>>) target_semaphore(%arg12 : memref<!tpu.dma_semaphore, #tpu.memory_space<semaphore_mem>>)
    %dma_start3A_28 = tpu.memref_slice %arg2[%add3A_8] : memref<819200xi32, #tpu.memory_space<hbm>> -> memref<12800xi32, #tpu.memory_space<hbm>>
    %dma_start3A_29 = tpu.memref_slice %arg2[%add3A_8] : memref<819200xi32, #tpu.memory_space<hbm>> -> memref<12800xi32, #tpu.memory_space<hbm>>
    tpu.enqueue_dma source(%dma_start3A_29 : memref<12800xi32, #tpu.memory_space<hbm>>) target(%arg7 : memref<12800xi32, #tpu.memory_space<vmem>>) target_semaphore(%arg13 : memref<!tpu.dma_semaphore, #tpu.memory_space<semaphore_mem>>)
    %dma_start3A_30 = tpu.memref_slice %arg3[%add3A_12] : memref<819200xi32, #tpu.memory_space<hbm>> -> memref<12800xi32, #tpu.memory_space<hbm>>
    %dma_start3A_31 = tpu.memref_slice %arg3[%add3A_12] : memref<819200xi32, #tpu.memory_space<hbm>> -> memref<12800xi32, #tpu.memory_space<hbm>>
    tpu.enqueue_dma source(%dma_start3A_31 : memref<12800xi32, #tpu.memory_space<hbm>>) target(%arg8 : memref<12800xi32, #tpu.memory_space<vmem>>) target_semaphore(%arg14 : memref<!tpu.dma_semaphore, #tpu.memory_space<semaphore_mem>>)
    %dma_start3A_32 = tpu.memref_slice %arg3[%add3A_16] : memref<819200xi32, #tpu.memory_space<hbm>> -> memref<12800xi32, #tpu.memory_space<hbm>>
    %dma_start3A_33 = tpu.memref_slice %arg3[%add3A_16] : memref<819200xi32, #tpu.memory_space<hbm>> -> memref<12800xi32, #tpu.memory_space<hbm>>
    tpu.enqueue_dma source(%dma_start3A_33 : memref<12800xi32, #tpu.memory_space<hbm>>) target(%arg9 : memref<12800xi32, #tpu.memory_space<vmem>>) target_semaphore(%arg15 : memref<!tpu.dma_semaphore, #tpu.memory_space<semaphore_mem>>)
    %dma_start3A_34 = tpu.memref_slice %arg4[%add3A_20] : memref<819200xi32, #tpu.memory_space<hbm>> -> memref<12800xi32, #tpu.memory_space<hbm>>
    %dma_start3A_35 = tpu.memref_slice %arg4[%add3A_20] : memref<819200xi32, #tpu.memory_space<hbm>> -> memref<12800xi32, #tpu.memory_space<hbm>>
    tpu.enqueue_dma source(%dma_start3A_35 : memref<12800xi32, #tpu.memory_space<hbm>>) target(%arg10 : memref<12800xi32, #tpu.memory_space<vmem>>) target_semaphore(%arg16 : memref<!tpu.dma_semaphore, #tpu.memory_space<semaphore_mem>>)
    %dma_start3A_36 = tpu.memref_slice %arg4[%add3A_24] : memref<819200xi32, #tpu.memory_space<hbm>> -> memref<12800xi32, #tpu.memory_space<hbm>>
    %dma_start3A_37 = tpu.memref_slice %arg4[%add3A_24] : memref<819200xi32, #tpu.memory_space<hbm>> -> memref<12800xi32, #tpu.memory_space<hbm>>
    tpu.enqueue_dma source(%dma_start3A_37 : memref<12800xi32, #tpu.memory_space<hbm>>) target(%arg11 : memref<12800xi32, #tpu.memory_space<vmem>>) target_semaphore(%arg17 : memref<!tpu.dma_semaphore, #tpu.memory_space<semaphore_mem>>)
    %dma_wait3A = tpu.memref_slice %arg2[%add3A_4] : memref<819200xi32, #tpu.memory_space<hbm>> -> memref<12800xi32, #tpu.memory_space<hbm>>
    %dma_wait3A_38 = tpu.memref_slice %arg2[%add3A_4] : memref<819200xi32, #tpu.memory_space<hbm>> -> memref<12800xi32, #tpu.memory_space<hbm>>
    tpu.wait_dma2 semaphore(%arg12 : memref<!tpu.dma_semaphore, #tpu.memory_space<semaphore_mem>>) src(%dma_wait3A_38 : memref<12800xi32, #tpu.memory_space<hbm>>) dst(%arg6 : memref<12800xi32, #tpu.memory_space<vmem>>)
    %dma_start3A_39 = tpu.memref_slice %arg5[%add3A_6] : memref<2457600xi32, #tpu.memory_space<hbm>> -> memref<12800xi32, #tpu.memory_space<hbm>>
    %dma_start3A_40 = tpu.memref_slice %arg5[%add3A_6] : memref<2457600xi32, #tpu.memory_space<hbm>> -> memref<12800xi32, #tpu.memory_space<hbm>>
    tpu.enqueue_dma source(%arg6 : memref<12800xi32, #tpu.memory_space<vmem>>) target(%dma_start3A_40 : memref<12800xi32, #tpu.memory_space<hbm>>) target_semaphore(%arg18 : memref<!tpu.dma_semaphore, #tpu.memory_space<semaphore_mem>>)
    %dma_wait3A_41 = tpu.memref_slice %arg2[%add3A_8] : memref<819200xi32, #tpu.memory_space<hbm>> -> memref<12800xi32, #tpu.memory_space<hbm>>
    %dma_wait3A_42 = tpu.memref_slice %arg2[%add3A_8] : memref<819200xi32, #tpu.memory_space<hbm>> -> memref<12800xi32, #tpu.memory_space<hbm>>
    tpu.wait_dma2 semaphore(%arg13 : memref<!tpu.dma_semaphore, #tpu.memory_space<semaphore_mem>>) src(%dma_wait3A_42 : memref<12800xi32, #tpu.memory_space<hbm>>) dst(%arg7 : memref<12800xi32, #tpu.memory_space<vmem>>)
    %dma_start3A_43 = tpu.memref_slice %arg5[%add3A_10] : memref<2457600xi32, #tpu.memory_space<hbm>> -> memref<12800xi32, #tpu.memory_space<hbm>>
    %dma_start3A_44 = tpu.memref_slice %arg5[%add3A_10] : memref<2457600xi32, #tpu.memory_space<hbm>> -> memref<12800xi32, #tpu.memory_space<hbm>>
    tpu.enqueue_dma source(%arg7 : memref<12800xi32, #tpu.memory_space<vmem>>) target(%dma_start3A_44 : memref<12800xi32, #tpu.memory_space<hbm>>) target_semaphore(%arg19 : memref<!tpu.dma_semaphore, #tpu.memory_space<semaphore_mem>>)
    %dma_wait3A_45 = tpu.memref_slice %arg3[%add3A_12] : memref<819200xi32, #tpu.memory_space<hbm>> -> memref<12800xi32, #tpu.memory_space<hbm>>
    %dma_wait3A_46 = tpu.memref_slice %arg3[%add3A_12] : memref<819200xi32, #tpu.memory_space<hbm>> -> memref<12800xi32, #tpu.memory_space<hbm>>
    tpu.wait_dma2 semaphore(%arg14 : memref<!tpu.dma_semaphore, #tpu.memory_space<semaphore_mem>>) src(%dma_wait3A_46 : memref<12800xi32, #tpu.memory_space<hbm>>) dst(%arg8 : memref<12800xi32, #tpu.memory_space<vmem>>)
    %dma_start3A_47 = tpu.memref_slice %arg5[%add3A_14] : memref<2457600xi32, #tpu.memory_space<hbm>> -> memref<12800xi32, #tpu.memory_space<hbm>>
    %dma_start3A_48 = tpu.memref_slice %arg5[%add3A_14] : memref<2457600xi32, #tpu.memory_space<hbm>> -> memref<12800xi32, #tpu.memory_space<hbm>>
    tpu.enqueue_dma source(%arg8 : memref<12800xi32, #tpu.memory_space<vmem>>) target(%dma_start3A_48 : memref<12800xi32, #tpu.memory_space<hbm>>) target_semaphore(%arg20 : memref<!tpu.dma_semaphore, #tpu.memory_space<semaphore_mem>>)
    %dma_wait3A_49 = tpu.memref_slice %arg3[%add3A_16] : memref<819200xi32, #tpu.memory_space<hbm>> -> memref<12800xi32, #tpu.memory_space<hbm>>
    %dma_wait3A_50 = tpu.memref_slice %arg3[%add3A_16] : memref<819200xi32, #tpu.memory_space<hbm>> -> memref<12800xi32, #tpu.memory_space<hbm>>
    tpu.wait_dma2 semaphore(%arg15 : memref<!tpu.dma_semaphore, #tpu.memory_space<semaphore_mem>>) src(%dma_wait3A_50 : memref<12800xi32, #tpu.memory_space<hbm>>) dst(%arg9 : memref<12800xi32, #tpu.memory_space<vmem>>)
    %dma_start3A_51 = tpu.memref_slice %arg5[%add3A_18] : memref<2457600xi32, #tpu.memory_space<hbm>> -> memref<12800xi32, #tpu.memory_space<hbm>>
    %dma_start3A_52 = tpu.memref_slice %arg5[%add3A_18] : memref<2457600xi32, #tpu.memory_space<hbm>> -> memref<12800xi32, #tpu.memory_space<hbm>>
    tpu.enqueue_dma source(%arg9 : memref<12800xi32, #tpu.memory_space<vmem>>) target(%dma_start3A_52 : memref<12800xi32, #tpu.memory_space<hbm>>) target_semaphore(%arg21 : memref<!tpu.dma_semaphore, #tpu.memory_space<semaphore_mem>>)
    %dma_wait3A_53 = tpu.memref_slice %arg4[%add3A_20] : memref<819200xi32, #tpu.memory_space<hbm>> -> memref<12800xi32, #tpu.memory_space<hbm>>
    %dma_wait3A_54 = tpu.memref_slice %arg4[%add3A_20] : memref<819200xi32, #tpu.memory_space<hbm>> -> memref<12800xi32, #tpu.memory_space<hbm>>
    tpu.wait_dma2 semaphore(%arg16 : memref<!tpu.dma_semaphore, #tpu.memory_space<semaphore_mem>>) src(%dma_wait3A_54 : memref<12800xi32, #tpu.memory_space<hbm>>) dst(%arg10 : memref<12800xi32, #tpu.memory_space<vmem>>)
    %dma_start3A_55 = tpu.memref_slice %arg5[%add3A_22] : memref<2457600xi32, #tpu.memory_space<hbm>> -> memref<12800xi32, #tpu.memory_space<hbm>>
    %dma_start3A_56 = tpu.memref_slice %arg5[%add3A_22] : memref<2457600xi32, #tpu.memory_space<hbm>> -> memref<12800xi32, #tpu.memory_space<hbm>>
    tpu.enqueue_dma source(%arg10 : memref<12800xi32, #tpu.memory_space<vmem>>) target(%dma_start3A_56 : memref<12800xi32, #tpu.memory_space<hbm>>) target_semaphore(%arg22 : memref<!tpu.dma_semaphore, #tpu.memory_space<semaphore_mem>>)
    %dma_wait3A_57 = tpu.memref_slice %arg4[%add3A_24] : memref<819200xi32, #tpu.memory_space<hbm>> -> memref<12800xi32, #tpu.memory_space<hbm>>
    %dma_wait3A_58 = tpu.memref_slice %arg4[%add3A_24] : memref<819200xi32, #tpu.memory_space<hbm>> -> memref<12800xi32, #tpu.memory_space<hbm>>
    tpu.wait_dma2 semaphore(%arg17 : memref<!tpu.dma_semaphore, #tpu.memory_space<semaphore_mem>>) src(%dma_wait3A_58 : memref<12800xi32, #tpu.memory_space<hbm>>) dst(%arg11 : memref<12800xi32, #tpu.memory_space<vmem>>)
    %dma_start3A_59 = tpu.memref_slice %arg5[%add3A_26] : memref<2457600xi32, #tpu.memory_space<hbm>> -> memref<12800xi32, #tpu.memory_space<hbm>>
    %dma_start3A_60 = tpu.memref_slice %arg5[%add3A_26] : memref<2457600xi32, #tpu.memory_space<hbm>> -> memref<12800xi32, #tpu.memory_space<hbm>>
    tpu.enqueue_dma source(%arg11 : memref<12800xi32, #tpu.memory_space<vmem>>) target(%dma_start3A_60 : memref<12800xi32, #tpu.memory_space<hbm>>) target_semaphore(%arg23 : memref<!tpu.dma_semaphore, #tpu.memory_space<semaphore_mem>>)
    %dma_wait3A_61 = tpu.memref_slice %arg5[%add3A_6] : memref<2457600xi32, #tpu.memory_space<hbm>> -> memref<12800xi32, #tpu.memory_space<hbm>>
    %dma_wait3A_62 = tpu.memref_slice %arg5[%add3A_6] : memref<2457600xi32, #tpu.memory_space<hbm>> -> memref<12800xi32, #tpu.memory_space<hbm>>
    tpu.wait_dma2 semaphore(%arg18 : memref<!tpu.dma_semaphore, #tpu.memory_space<semaphore_mem>>) src(%arg6 : memref<12800xi32, #tpu.memory_space<vmem>>) dst(%dma_wait3A_62 : memref<12800xi32, #tpu.memory_space<hbm>>)
    %dma_wait3A_63 = tpu.memref_slice %arg5[%add3A_10] : memref<2457600xi32, #tpu.memory_space<hbm>> -> memref<12800xi32, #tpu.memory_space<hbm>>
    %dma_wait3A_64 = tpu.memref_slice %arg5[%add3A_10] : memref<2457600xi32, #tpu.memory_space<hbm>> -> memref<12800xi32, #tpu.memory_space<hbm>>
    tpu.wait_dma2 semaphore(%arg19 : memref<!tpu.dma_semaphore, #tpu.memory_space<semaphore_mem>>) src(%arg7 : memref<12800xi32, #tpu.memory_space<vmem>>) dst(%dma_wait3A_64 : memref<12800xi32, #tpu.memory_space<hbm>>)
    %dma_wait3A_65 = tpu.memref_slice %arg5[%add3A_14] : memref<2457600xi32, #tpu.memory_space<hbm>> -> memref<12800xi32, #tpu.memory_space<hbm>>
    %dma_wait3A_66 = tpu.memref_slice %arg5[%add3A_14] : memref<2457600xi32, #tpu.memory_space<hbm>> -> memref<12800xi32, #tpu.memory_space<hbm>>
    tpu.wait_dma2 semaphore(%arg20 : memref<!tpu.dma_semaphore, #tpu.memory_space<semaphore_mem>>) src(%arg8 : memref<12800xi32, #tpu.memory_space<vmem>>) dst(%dma_wait3A_66 : memref<12800xi32, #tpu.memory_space<hbm>>)
    %dma_wait3A_67 = tpu.memref_slice %arg5[%add3A_18] : memref<2457600xi32, #tpu.memory_space<hbm>> -> memref<12800xi32, #tpu.memory_space<hbm>>
    %dma_wait3A_68 = tpu.memref_slice %arg5[%add3A_18] : memref<2457600xi32, #tpu.memory_space<hbm>> -> memref<12800xi32, #tpu.memory_space<hbm>>
    tpu.wait_dma2 semaphore(%arg21 : memref<!tpu.dma_semaphore, #tpu.memory_space<semaphore_mem>>) src(%arg9 : memref<12800xi32, #tpu.memory_space<vmem>>) dst(%dma_wait3A_68 : memref<12800xi32, #tpu.memory_space<hbm>>)
    %dma_wait3A_69 = tpu.memref_slice %arg5[%add3A_22] : memref<2457600xi32, #tpu.memory_space<hbm>> -> memref<12800xi32, #tpu.memory_space<hbm>>
    %dma_wait3A_70 = tpu.memref_slice %arg5[%add3A_22] : memref<2457600xi32, #tpu.memory_space<hbm>> -> memref<12800xi32, #tpu.memory_space<hbm>>
    tpu.wait_dma2 semaphore(%arg22 : memref<!tpu.dma_semaphore, #tpu.memory_space<semaphore_mem>>) src(%arg10 : memref<12800xi32, #tpu.memory_space<vmem>>) dst(%dma_wait3A_70 : memref<12800xi32, #tpu.memory_space<hbm>>)
    %dma_wait3A_71 = tpu.memref_slice %arg5[%add3A_26] : memref<2457600xi32, #tpu.memory_space<hbm>> -> memref<12800xi32, #tpu.memory_space<hbm>>
    %dma_wait3A_72 = tpu.memref_slice %arg5[%add3A_26] : memref<2457600xi32, #tpu.memory_space<hbm>> -> memref<12800xi32, #tpu.memory_space<hbm>>
    tpu.wait_dma2 semaphore(%arg23 : memref<!tpu.dma_semaphore, #tpu.memory_space<semaphore_mem>>) src(%arg11 : memref<12800xi32, #tpu.memory_space<vmem>>) dst(%dma_wait3A_72 : memref<12800xi32, #tpu.memory_space<hbm>>)
    return
  }
}

module attributes {stable_mosaic.version = 14 : i64} {
  func.func @_dense_body(%arg0: i32, %arg1: memref<64x8192xf32, #tpu.memory_space<vmem>>, %arg2: memref<8192x128xf32, #tpu.memory_space<vmem>>, %arg3: memref<16385xi32, #tpu.memory_space<vmem>>, %arg4: memref<16385xi32, #tpu.memory_space<vmem>>, %arg5: memref<16385xi32, #tpu.memory_space<vmem>>, %arg6: memref<192x8192xf32, #tpu.memory_space<vmem>>, %arg7: memref<49152xi32, #tpu.memory_space<vmem>>, %arg8: memref<49153xi32, #tpu.memory_space<vmem>>) attributes {dimension_semantics = [#tpu.dimension_semantics<arbitrary>], iteration_bounds = array<i64: 2>, scalar_prefetch = 0 : i64, scratch_operands = 0 : i64, tpu.core_type = #tpu.core_type<tc>, window_params = [{transform_indices = @transform_0, window_bounds = array<i64: 64, 8192>}, {transform_indices = @transform_1, window_bounds = array<i64: 8192, 128>}, {pipeline_mode = #tpu.pipeline_mode<synchronous>, transform_indices = @transform_2, window_bounds = array<i64: 16385>}, {pipeline_mode = #tpu.pipeline_mode<synchronous>, transform_indices = @transform_3, window_bounds = array<i64: 16385>}, {pipeline_mode = #tpu.pipeline_mode<synchronous>, transform_indices = @transform_4, window_bounds = array<i64: 16385>}, {transform_indices = @transform_5, window_bounds = array<i64: 192, 8192>}, {pipeline_mode = #tpu.pipeline_mode<synchronous>, transform_indices = @transform_6, window_bounds = array<i64: 49152>}, {pipeline_mode = #tpu.pipeline_mode<synchronous>, transform_indices = @transform_7, window_bounds = array<i64: 49153>}]} {
    %get3A = arith.constant 0 : index
    %get3A_0 = arith.constant 0 : index
    %get3A_1 = vector.load %arg1[%get3A, %get3A_0] : memref<64x8192xf32, #tpu.memory_space<vmem>>, vector<64x8192xf32>
    %swap3A = arith.constant 0 : index
    %swap3A_2 = arith.constant 0 : index
    %swap3A_3 = vector.load %arg6[%swap3A, %swap3A_2] : memref<192x8192xf32, #tpu.memory_space<vmem>>, vector<64x8192xf32>
    tpu.vector_store %arg6[%swap3A, %swap3A_2], %get3A_1 {strides = array<i32>} : memref<192x8192xf32, #tpu.memory_space<vmem>>, vector<64x8192xf32>,
    %get3A_4 = arith.constant 0 : index
    %get3A_5 = arith.constant 0 : index
    %get3A_6 = vector.load %arg2[%get3A_4, %get3A_5] : memref<8192x128xf32, #tpu.memory_space<vmem>>, vector<8192x128xf32>
    %transpose3A = tpu.transpose %get3A_6, [1, 0] : vector<8192x128xf32> -> vector<128x8192xf32>
    %swap3A_7 = arith.constant 64 : index
    %swap3A_8 = arith.constant 0 : index
    %swap3A_9 = vector.load %arg6[%swap3A_7, %swap3A_8] : memref<192x8192xf32, #tpu.memory_space<vmem>>, vector<128x8192xf32>
    tpu.vector_store %arg6[%swap3A_7, %swap3A_8], %transpose3A {strides = array<i32>} : memref<192x8192xf32, #tpu.memory_space<vmem>>, vector<128x8192xf32>,
    %eq3A = arith.constant 0 : i32
    %eq3A_10 = arith.cmpi eq, %arg0, %eq3A : i32
    %convert_element_type3A = arith.extui %eq3A_10 : i1 to i32
    %cond3A = arith.constant 0 : i32
    %cond3A_11 = arith.cmpi ne, %convert_element_type3A, %cond3A : i32
    scf.if %cond3A_11 {
      %get3A_12 = arith.constant 0 : index
      %get3A_13 = vector.load %arg3[%get3A_12] : memref<16385xi32, #tpu.memory_space<vmem>>, vector<16385xi32>
      %get3A_14 = arith.constant 0 : index
      %get3A_15 = vector.load %arg4[%get3A_14] : memref<16385xi32, #tpu.memory_space<vmem>>, vector<16385xi32>
      %get3A_16 = arith.constant 0 : index
      %get3A_17 = vector.load %arg5[%get3A_16] : memref<16385xi32, #tpu.memory_space<vmem>>, vector<16385xi32>
      %slice3A = vector.extract_strided_slice %get3A_13 {offsets = [1], sizes = [16384], strides = [1]} : vector<16385xi32> to vector<16384xi32>
      %slice3A_18 = vector.extract_strided_slice %get3A_13 {offsets = [0], sizes = [16384], strides = [1]} : vector<16385xi32> to vector<16384xi32>
      %sub3A = arith.subi %slice3A, %slice3A_18 : vector<16384xi32>
      %swap3A_19 = arith.constant 0 : index
      %swap3A_20 = vector.load %arg7[%swap3A_19] : memref<49152xi32, #tpu.memory_space<vmem>>, vector<16384xi32>
      tpu.vector_store %arg7[%swap3A_19], %sub3A {strides = array<i32>} : memref<49152xi32, #tpu.memory_space<vmem>>, vector<16384xi32>,
      %slice3A_21 = vector.extract_strided_slice %get3A_15 {offsets = [1], sizes = [16384], strides = [1]} : vector<16385xi32> to vector<16384xi32>
      %slice3A_22 = vector.extract_strided_slice %get3A_15 {offsets = [0], sizes = [16384], strides = [1]} : vector<16385xi32> to vector<16384xi32>
      %sub3A_23 = arith.subi %slice3A_21, %slice3A_22 : vector<16384xi32>
      %swap3A_24 = arith.constant 16384 : index
      %swap3A_25 = vector.load %arg7[%swap3A_24] : memref<49152xi32, #tpu.memory_space<vmem>>, vector<16384xi32>
      tpu.vector_store %arg7[%swap3A_24], %sub3A_23 {strides = array<i32>} : memref<49152xi32, #tpu.memory_space<vmem>>, vector<16384xi32>,
      %slice3A_26 = vector.extract_strided_slice %get3A_17 {offsets = [1], sizes = [16384], strides = [1]} : vector<16385xi32> to vector<16384xi32>
      %slice3A_27 = vector.extract_strided_slice %get3A_17 {offsets = [0], sizes = [16384], strides = [1]} : vector<16385xi32> to vector<16384xi32>
      %sub3A_28 = arith.subi %slice3A_26, %slice3A_27 : vector<16384xi32>
      %swap3A_29 = arith.constant 32768 : index
      %swap3A_30 = vector.load %arg7[%swap3A_29] : memref<49152xi32, #tpu.memory_space<vmem>>, vector<16384xi32>
      tpu.vector_store %arg7[%swap3A_29], %sub3A_28 {strides = array<i32>} : memref<49152xi32, #tpu.memory_space<vmem>>, vector<16384xi32>,
      %get3A_31 = arith.constant 0 : index
      %get3A_32 = vector.load %arg3[%get3A_31] : memref<16385xi32, #tpu.memory_space<vmem>>, vector<1xi32>
      %get3A_33 = arith.constant 16384 : index
      %get3A_34 = vector.load %arg3[%get3A_33] : memref<16385xi32, #tpu.memory_space<vmem>>, vector<1xi32>
      %sub3A_35 = arith.subi %get3A_34, %get3A_32 : vector<1xi32>
      %get3A_36 = arith.constant 0 : index
      %get3A_37 = vector.load %arg4[%get3A_36] : memref<16385xi32, #tpu.memory_space<vmem>>, vector<1xi32>
      %sub3A_38 = arith.subi %sub3A_35, %get3A_37 : vector<1xi32>
      %get3A_39 = arith.constant 16384 : index
      %get3A_40 = vector.load %arg3[%get3A_39] : memref<16385xi32, #tpu.memory_space<vmem>>, vector<1xi32>
      %sub3A_41 = arith.subi %get3A_40, %get3A_32 : vector<1xi32>
      %get3A_42 = arith.constant 16384 : index
      %get3A_43 = vector.load %arg4[%get3A_42] : memref<16385xi32, #tpu.memory_space<vmem>>, vector<1xi32>
      %add3A = arith.addi %sub3A_41, %get3A_43 : vector<1xi32>
      %get3A_44 = arith.constant 0 : index
      %get3A_45 = vector.load %arg4[%get3A_44] : memref<16385xi32, #tpu.memory_space<vmem>>, vector<1xi32>
      %sub3A_46 = arith.subi %add3A, %get3A_45 : vector<1xi32>
      %get3A_47 = arith.constant 0 : index
      %get3A_48 = vector.load %arg5[%get3A_47] : memref<16385xi32, #tpu.memory_space<vmem>>, vector<1xi32>
      %sub3A_49 = arith.subi %sub3A_46, %get3A_48 : vector<1xi32>
      %sub3A_50 = vector.broadcast %get3A_32 : vector<1xi32> to vector<16385xi32>
      %sub3A_51 = arith.subi %get3A_13, %sub3A_50 : vector<16385xi32>
      %swap3A_52 = arith.constant 0 : index
      %swap3A_53 = vector.load %arg8[%swap3A_52] : memref<49153xi32, #tpu.memory_space<vmem>>, vector<16385xi32>
      tpu.vector_store %arg8[%swap3A_52], %sub3A_51 {strides = array<i32>} : memref<49153xi32, #tpu.memory_space<vmem>>, vector<16385xi32>,
      %slice3A_54 = vector.extract_strided_slice %get3A_15 {offsets = [1], sizes = [16384], strides = [1]} : vector<16385xi32> to vector<16384xi32>
      %add3A_55 = vector.broadcast %sub3A_38 : vector<1xi32> to vector<16384xi32>
      %add3A_56 = arith.addi %slice3A_54, %add3A_55 : vector<16384xi32>
      %swap3A_57 = arith.constant 16385 : index
      %swap3A_58 = vector.load %arg8[%swap3A_57] : memref<49153xi32, #tpu.memory_space<vmem>>, vector<16384xi32>
      tpu.vector_store %arg8[%swap3A_57], %add3A_56 {strides = array<i32>} : memref<49153xi32, #tpu.memory_space<vmem>>, vector<16384xi32>,
      %slice3A_59 = vector.extract_strided_slice %get3A_17 {offsets = [1], sizes = [16384], strides = [1]} : vector<16385xi32> to vector<16384xi32>
      %add3A_60 = vector.broadcast %sub3A_49 : vector<1xi32> to vector<16384xi32>
      %add3A_61 = arith.addi %slice3A_59, %add3A_60 : vector<16384xi32>
      %swap3A_62 = arith.constant 32769 : index
      %swap3A_63 = vector.load %arg8[%swap3A_62] : memref<49153xi32, #tpu.memory_space<vmem>>, vector<16384xi32>
      tpu.vector_store %arg8[%swap3A_62], %add3A_61 {strides = array<i32>} : memref<49153xi32, #tpu.memory_space<vmem>>, vector<16384xi32>,
    } else {
    }
    return
  }
  func.func @transform_0(%arg0: i32) -> (i32, i32) {
    %c0_i32 = arith.constant 0 : i32
    %c0_i32_0 = arith.constant 0 : i32
    return %c0_i32, %arg0 : i32, i32
  }
  func.func @transform_1(%arg0: i32) -> (i32, i32) {
    %c0_i32 = arith.constant 0 : i32
    %c0_i32_0 = arith.constant 0 : i32
    return %arg0, %c0_i32 : i32, i32
  }
  func.func @transform_2(%arg0: i32) -> i32 {
    %c0_i32 = arith.constant 0 : i32
    %c0_i32_0 = arith.constant 0 : i32
    return %c0_i32 : i32
  }
  func.func @transform_3(%arg0: i32) -> i32 {
    %c0_i32 = arith.constant 0 : i32
    %c0_i32_0 = arith.constant 0 : i32
    return %c0_i32 : i32
  }
  func.func @transform_4(%arg0: i32) -> i32 {
    %c0_i32 = arith.constant 0 : i32
    %c0_i32_0 = arith.constant 0 : i32
    return %c0_i32 : i32
  }
  func.func @transform_5(%arg0: i32) -> (i32, i32) {
    %c0_i32 = arith.constant 0 : i32
    %c0_i32_0 = arith.constant 0 : i32
    return %c0_i32, %arg0 : i32, i32
  }
  func.func @transform_6(%arg0: i32) -> i32 {
    %c0_i32 = arith.constant 0 : i32
    %c0_i32_0 = arith.constant 0 : i32
    return %c0_i32 : i32
  }
  func.func @transform_7(%arg0: i32) -> i32 {
    %c0_i32 = arith.constant 0 : i32
    %c0_i32_0 = arith.constant 0 : i32
    return %c0_i32 : i32
  }
}

</mosaic_0001>

<sc_bundles>
// kernel: kernel.4.cloned.1.call-start
scs
__scs_entry_jumppad:
0x0: {  	(pc) =	sbr.rel $0x88, $3  }
0x1: {  	(tag) =	ssettag $0x0;
	lr =	simm.s32 $0x1  }
0x2: {  	[smem:$0x3F99] =	sst lr;
	_ =	strace $0xD0000000  }
0x3: {  	_ = 	snop  }
0x4: {  	_ = 	snop  }
0x5: {  	_ = 	snop  }
0x6: {  	_ = 	snop  }
0x7: {  	_ = 	snop  }
__scs_overlays_trampoline_lowered:
0x8: {  	[smem:$0x3FA8] =	sst s0  }
0x9: {  	[smem:$0x3FA9] =	sst s1  }
0xa: {  	[smem:$0x3FAA] =	sst s2  }
0xb: {  	[smem:$0x3FAB] =	sst s3  }
0xc: {  	[smem:$0x3FAC] =	sst s4  }
0xd: {  	[smem:$0x3FAD] =	sst s5  }
0xe: {  	[smem:$0x3FAE] =	sst s6  }
0xf: {  	[smem:$0x3FAF] =	sst s7  }
0x10: {  	[smem:$0x3FB0] =	sst s8  }
0x11: {  	[smem:$0x3FB1] =	sst s9;
	s0 =	simm.s32 @!p0 $0x0  }
0x12: {  	s1 =	sld [smem:$0x3F97];
	s0 =	simm.s32 @p0 $0x1  }
0x13: {  	[smem:$0x3FB2] =	sst s0;
	s0 =	simm.s32 @!p1 $0x0  }
0x14: {  	s2 =	sld [smem:$0x3F96];
	s0 =	simm.s32 @p1 $0x1  }
0x15: {  	[smem:$0x3FB3] =	sst s0;
	s0 =	simm.s32 @!p2 $0x0  }
0x16: {  	s3 =	sld [smem:$0x3FDB];
	s0 =	simm.s32 @p2 $0x1  }
0x17: {  	s4 =	simm.s32 $0x1BF5;
	[smem:$0x3FB5] =	sst s0  }
0x18: {  	s0 =	sld [smem:$0x3F98];
	_ =	swait.ge [sflag:s4], $0x0  }
0x19: {  	s7 =	sld [smem:$0x3F99]  }
0x1a: {  	s8 =	sadd.s32 $0xFFFFE003, lr  }
0x1b: {  	s9 =	sadd.s32 $0xFFFFFEF7, lr;
	s5 =	simm.s32 $0xFFFFFFFF;
	p2 =	slt.u32 s8, $0xFFFFF086  }
0x1c: {  	p1 =	slt.u32 s9, $0xF7A;
	s5 =	simm.s32 @!p2 $0x0  }
0x1d: {  	s5 =	simm.s32 @p1 $0x1;
	p0 =	seq.s32 s7, s2  }
0x1e: {  	s7 =	smul.u32 @!p0 $0xF7A, s2;
	p2 =	seq.s32 @!p0 s5, $0x0  }
0x1f: {  	s9 =	smul.u32 $0xF7A, s1;
	s8 =	simm.s32 @!p0 $0x1BF5;
	p2 =	por !p2, p0  }
0x20: {  	[sflag:s8] =	ssyncset.s32 @!p0 $0xFFFFF086;
	s6 =	sadd.s32 @!p0 s3, s7;
	s7 =	simm.s32 @!p0 $0x108  }
0x21: {  	s3 =	sadd.s32 s3, s9;
	s6 =	sadd.s32 @!p0 $0x88, s6;
	s7 =	simm.s32 @p2 $0x1082  }
0x22: {  	[simem:s7], [sflag:s8] =	dma.local @!p0 [hbm:s6], $0xF7A  }
0x23: {  	s9 =	sor.u32 $0xD0000000, s2;
	s6 =	simm.s32 $0x108;
	_ =	swait.ge @!p0 [sflag:s8], $0x0  }
0x24: {  	s3 =	sadd.s32 $0x88, s3;
	s6 =	simm.s32 @!p1 $0x1082;
	[sflag:s4] =	ssyncset.s32 $0xFFFFF086  }
0x25: {  	[simem:s6], [sflag:s4] =	dma.local [hbm:s3], $0xF7A  }
0x26: {  	[smem:$0x3F99] =	sst s1;
	(tag) =	ssettag s2;
	_ =	strace s9  }
0x27: {  	s1 =	sld [smem:$0x3FA9]  }
0x28: {  	s2 =	sld [smem:$0x3FAA]  }
0x29: {  	s4 =	sld [smem:$0x3FAC]  }
0x2a: {  	p0 =	seq.s32 s5, $0x0;
	s5 =	sld [smem:$0x3FAD]  }
0x2b: {  	s6 =	sld [smem:$0x3FAE]  }
0x2c: {  	s7 =	sld [smem:$0x3FAF]  }
0x2d: {  	s3 =	simm.s32 $0x108;
	s8 =	sld [smem:$0x3FB0]  }
0x2e: {  	s3 =	simm.s32 @!p0 $0x1082;
	s9 =	sld [smem:$0x3FB1]  }
0x2f: {  	lr =	sadd.s32 s0, s3;
	s0 =	sld [smem:$0x3FA8]  }
0x30: {  	s3 =	sld [smem:$0x3FAB]  }
0x31: {  	[smem:$0x3FB4] =	sst s10  }
0x32: {  	s10 =	sld [smem:$0x3FB2];
	_ =	sdelay $0x3  }
0x33: {  	p0 =	seq.s32 s10, $0x1;
	s10 =	sld [smem:$0x3FB4];
	_ =	sdelay $0x3  }
0x34: {  	[smem:$0x3FB4] =	sst s10  }
0x35: {  	s10 =	sld [smem:$0x3FB3];
	_ =	sdelay $0x3  }
0x36: {  	p1 =	seq.s32 s10, $0x1;
	s10 =	sld [smem:$0x3FB4];
	_ =	sdelay $0x3  }
0x37: {  	[smem:$0x3FB4] =	sst s10  }
0x38: {  	s10 =	sld [smem:$0x3FB5]  }
0x39: {  	_ = 	snop;
	(pc) =	sbr.ind lr, $3  }
0x3a: {  	_ = 	snop  }
0x3b: {  	_ = 	snop  }
0x3c: {  	p2 =	seq.s32 s10, $0x1;
	s10 =	sld [smem:$0x3FB4]  }
0x3d: {  	_ =	shalt  }
0x3e: {  	_ =	shalt  }
0x3f: {  	_ =	shalt  }
0x40: {  	_ =	shalt  }
0x41: {  	_ =	shalt  }
0x42: {  	_ =	shalt  }
0x43: {  	_ =	shalt  }
0x44: {  	_ =	shalt  }
0x45: {  	_ =	shalt  }
0x46: {  	_ =	shalt  }
0x47: {  	_ =	shalt  }
0x48: {  	_ =	shalt  }
0x49: {  	_ =	shalt  }
0x4a: {  	_ =	shalt  }
0x4b: {  	_ =	shalt  }
0x4c: {  	_ =	shalt  }
0x4d: {  	_ =	shalt  }
0x4e: {  	_ =	shalt  }
0x4f: {  	_ =	shalt  }
0x50: {  	_ =	shalt  }
0x51: {  	_ =	shalt  }
0x52: {  	_ =	shalt  }
0x53: {  	_ =	shalt  }
0x54: {  	_ =	shalt  }
0x55: {  	_ =	shalt  }
0x56: {  	_ =	shalt  }
0x57: {  	_ =	shalt  }
0x58: {  	_ =	shalt  }
0x59: {  	_ =	shalt  }
0x5a: {  	_ =	shalt  }
0x5b: {  	_ =	shalt  }
0x5c: {  	_ =	shalt  }
0x5d: {  	_ =	shalt  }
0x5e: {  	_ =	shalt  }
0x5f: {  	_ =	shalt  }
0x60: {  	_ =	shalt  }
0x61: {  	_ =	shalt  }
0x62: {  	_ =	shalt  }
0x63: {  	_ =	shalt  }
0x64: {  	_ =	shalt  }
0x65: {  	_ =	shalt  }
0x66: {  	_ =	shalt  }
0x67: {  	_ =	shalt  }
0x68: {  	_ =	shalt  }
0x69: {  	_ =	shalt  }
0x6a: {  	_ =	shalt  }
0x6b: {  	_ =	shalt  }
0x6c: {  	_ =	shalt  }
0x6d: {  	_ =	shalt  }
0x6e: {  	_ =	shalt  }
0x6f: {  	_ =	shalt  }
0x70: {  	_ =	shalt  }
0x71: {  	_ =	shalt  }
0x72: {  	_ =	shalt  }
0x73: {  	_ =	shalt  }
0x74: {  	_ =	shalt  }
0x75: {  	_ =	shalt  }
0x76: {  	_ =	shalt  }
0x77: {  	_ =	shalt  }
0x78: {  	_ =	shalt  }
0x79: {  	_ =	shalt  }
0x7a: {  	_ =	shalt  }
0x7b: {  	_ =	shalt  }
0x7c: {  	_ =	shalt  }
0x7d: {  	_ =	shalt  }
0x7e: {  	_ =	shalt  }
0x7f: {  	_ =	shalt  }
0x80: {  	_ =	shalt  }
0x81: {  	_ =	shalt  }
0x82: {  	_ =	shalt  }
0x83: {  	_ =	shalt  }
0x84: {  	_ =	shalt  }
0x85: {  	_ =	shalt  }
0x86: {  	_ =	shalt  }
0x87: {  	_ =	shalt  }
.Lfunc_end0:
.L_simem_size_0:
called_computation_lowered:
.L_overlay_start_0:
0x88: {  	s2 =	sld [smem:$0x3FD9]  }
0x89: {  	s3 =	sld [smem:$0x3FFE];
	_ =	sdelay $0x1  }
0x8a: {  	s1 =	srdreg.scid  }
0x8b: {  	s0 =	sand.u32 $0x1, s1  }
0x8c: {  	s15 =	sshll.u32 s0, $0xA;
	s2 =	sadd.s32 s3, s2  }
0x8d: {  	s2 =	sadd.s32 s2, s15  }
0x8e: {  	[smem:$0x3FC0] =	sst s2  }
0x8f: {  	_ = 	snop  }
0x90: {  	s2 =	sld [smem:$0x3FD0]  }
0x91: {  	s16 =	sld [smem:$0x3FC7]  }
0x92: {  	s4 =	sld [smem:$0x3FC5]  }
0x93: {  	s6 =	simm.s32 $0xA;
	s7 =	simm.s32 $0x10;
	s5 =	sld [smem:$0x3FC3]  }
0x94: {  	[smem:s7], [sflag:s6] =	dma.local [hbm:s2], $0x1  }
0x95: {  	_ =	swait.eq [sflag:s6], $0x1  }
0x96: {  	[sflag:s6] =	ssyncset.done $0x0  }
0x97: {  	[sflag:s6] =	ssyncadd.s32 $0xFFFFFFFF  }
0x98: {  	s17 =	sld [smem:$0x11];
	(tm) =	ssettm $0x1  }
0x99: {  	s18 =	sld [smem:$0x3FFB];
	_ =	sdelay $0x3  }
0x9a: {  	_ =	strace s18  }
0x9b: {  	s6 =	sld [smem:$0x3FFC];
	_ =	sdelay $0x3  }
0x9c: {  	_ =	strace s6  }
0x9d: {  	s6 =	sld [smem:$0x3FFD];
	_ =	sdelay $0x3  }
0x9e: {  	_ =	strace s6  }
0x9f: {  	_ =	strace $0x8FFFFFFF  }
0xa0: {  	s19 =	sld [smem:$0x3FDB];
	_ =	sdelay $0x1  }
0xa1: {  	s20 =	simm.s32 $_scs_section_size  }
0xa2: {  	s8 =	simm.s32 $_size__tile_overlayer_lowered;
	s9 =	simm.s32 $_tile_overlayer_lowered  }
0xa3: {  	s23 =	simm.s32 $0x1BFF;
	s22 =	sshll.u32 s9, $0x1;
	s6 =	sadd.s32 s20, s19  }
0xa4: {  	s10 =	simm.s32 $0x0;
	s21 =	sshll.u32 s8, $0x1;
	s8 =	sadd.s32 s22, s6  }
0xa5: {  	[timem:s10], [sflag:s23] =	dma.local [hbm:s8], s21  }
0xa6: {  	_ =	swait.ge [sflag:s23], s21  }
0xa7: {  	s7 =	ssub.s32 $0x0, s21;
	[sflag:s23] =	ssyncset.done $0x0  }
0xa8: {  	[sflag:s23] =	ssyncadd.s32 s7;
	_ =	sdelay $0x1  }
0xa9: {  	s24 =	simm.s32 $0x1B8B  }
0xaa: {  	_ =	swait.ge [sflag:s24], $0x1  }
0xab: {  	[sflag:s24] =	ssyncset.done $0x0  }
0xac: {  	s25 =	simm.s32 $0x1B8E;
	[sflag:s24] =	ssyncadd.s32 $0xFFFFFFFF  }
0xad: {  	s26 =	simm.s32 $execute0_lowered;
	[smem:$0x3FD2] =	sst s25  }
0xae: {  	s7 =	sshll.u32 s26, $0x1;
	_ =	strace $0x80000046;
	[dreg:$0x1] =	wrdreg $0xFFFFFFFF  }
0xaf: {  	s28 =	simm.s32 $_size_execute0_lowered;
	s6 =	sadd.s32 s6, s7;
	[dreg:$0x0] =	wrdreg $0x0  }
0xb0: {  	s7 =	sshll.u32 s28, $0x1;
	[dreg:$0x2] =	wrdreg s6  }
0xb1: {  	[dreg:$0x3] =	wrdreg s7  }
0xb2: {  	[dreg:$0x4] =	wrdreg $0xC0  }
0xb3: {  	_ =	task [dreg:s10], $0x5FFFF  }
0xb4: {  	[dreg:$0x1] =	wrdreg $0xFFFFFFFF  }
0xb5: {  	[dreg:$0x0] =	wrdreg $0x60  }
0xb6: {  	[dreg:$0x2] =	wrdreg s16  }
0xb7: {  	[dreg:$0x3] =	wrdreg s4  }
0xb8: {  	[dreg:$0x4] =	wrdreg s5  }
0xb9: {  	[dreg:$0x5] =	wrdreg s17  }
0xba: {  	[dreg:$0x6] =	wrdreg $0x9  }
0xbb: {  	_ =	task.clear_ibuf [dreg:s10], $0x7FFFF;
	_ =	strace $0x90000046  }
0xbc: {  	s29 =	simm.s32 $0x9;
	_ =	strace $0x80000048  }
0xbd: {  	_ =	swait.ge [sflag:s29], $0x1  }
0xbe: {  	[sflag:s29] =	ssyncadd.s32 $0xFFFFFFFF  }
0xbf: {  	_ =	strace $0x90000048  }
0xc0: {  	_ =	sfence  }
0xc1: {  	s30 =	sld [smem:$0x0];
	_ =	sdelay $0x2  }
0xc2: {  	s31 =	sshll.u32 s1, $0xD;
	s1 =	sshrl.u32 s1, $0x2  }
0xc3: {  	s3 =	sand.u32 $0x4000, s31;
	s1 =	sadd.s32 s1, s30  }
0xc4: {  	s0 =	sor.u32 s3, s0;
	s1 =	sshll.u32 s1, $0x11  }
0xc5: {  	s0 =	sor.u32 s1, s0  }
0xc6: {  	s0 =	sadd.s32 $0x8F2B, s0  }
0xc7: {  	[sflag:s0] =	ssyncadd.remote.s32 $0x1  }
0xc8: {  	_ =	sfence.sel $0xFFFF  }
0xc9: {  	[dreg:$0x0] =	wrdreg $0xFFFFFFFF;
	(pc) =	sbr.abs _section_cstart, $3  }
0xca: {  	[dreg:$0x1] =	wrdreg $0xFFFFFFFF  }
0xcb: {  	_ =	task.clear_ibuf [dreg:s10], $0x2FFFF;
	_ =	strace $0x9FFFFFFF  }
0xcc: {  	(tm) =	ssettm $0x7FFFFFFF  }
0xcd: {  	_ =	shalt  }
tec
execute0_lowered:
.L_overlay_start_1:
0x0: {  	(tag) =	ssettag $0x1  }
0x1: {  	s0 =	rddreg [dreg:$0x0]  }
0x2: {  	s3 =	rddreg [dreg:$0x1]  }
0x3: {  	s1 =	srdreg.scid;
	s4 =	rddreg [dreg:$0x2]  }
0x4: {  	s2 =	stileid.u32;
	s5 =	rddreg [dreg:$0x3]  }
0x5: {  	s26 =	simm.s32 $0x3200;
	s19 =	simm.s32 $0x6400;
	s15 =	simm.s32 $0x9600  }
0x6: {  	s11 =	simm.s32 $0xC800;
	s31 =	simm.s32 $0x1;
	s30 =	simm.s32 $0x2  }
0x7: {  	s29 =	simm.s32 $0x3;
	s28 =	simm.s32 $0x4;
	s20 =	simm.s32 $0x5  }
0x8: {  	p0 =	por $0x0, $0x0;
	s1 =	sand.u32 $0x1, s1;
	s2 =	sshll.u32 s2, $0x1  }
0x9: {  	s13 =	simm.s32 $0x8;
	s12 =	simm.s32 $0x9;
	s2 =	sor.u32 s1, s2  }
0xa: {  	s1 =	ssub.s32 $0x2, s1;
	s6 =	smul.u32 $0x6400, s2;
	s2 =	simm.s32 $0x0  }
0xb: {  	s9 =	simm.s32 $0xA;
	s7 =	sshrl.u32 s1, $0x1;
	[smem:$0x7FF] =	sst s2  }
0xc: {  	s1 =	ssub.s32 s1, s7;
	s6 =	sshrl.u32 s6, $0x3;
	_ =	strace $0x80000047  }
0xd: {  	s17 =	smax.u32 s1, $0x1;
	s8 =	sadd.s32 s0, s6;
	s16 =	sadd.s32 $0x640, s6  }
0xe: {  	s22 =	sadd.s32 s3, s6;
	s24 =	sadd.s32 s4, s6;
	s18 =	sadd.s32 s5, s6  }
0xf: {  	p1 =	sne.s32 s17, $0x1;
	s1 =	sadd.s32 $0xFFFFFFFF, s17;
	s17 =	simm.s32 $0x7  }
.Ltmp0:
0x10: {  	s6 =	simm.s32 $0xB;
	[dreg:$0x5] =	wrdreg s8;
	(pc) =	sbr.rel @!p1 .LBB2_3-.Ltmp0, $4  }
0x11: {  	s21 =	sadd.s32 s0, s16;
	s23 =	sadd.s32 s3, s16;
	s25 =	sadd.s32 s4, s16  }
0x12: {  	s14 =	sadd.s32 s5, s16;
	s10 =	sadd.s32 $0x19000, s18;
	s7 =	sadd.s32 $0x19640, s18  }
0x13: {  	s4 =	sadd.s32 $0x32000, s18;
	s3 =	sadd.s32 $0x32640, s18;
	s8 =	simm.s32 $0xFA00  }
0x14: {  	s16 =	simm.s32 $0x6;
	s5 =	simm.s32 $0xC;
	s0 =	rddreg [dreg:$0x5]  }
0x15: {  	[tilespmem:s2], [sflag:$0x1] =	stream.linear.gather [hbm4b:s0+s2], $0x3200, $0x38;
	[tilespmem:$0x12C00] =	vst v63  }
0x16: {  	_ = 	snop  }
0x17: {  	[tilespmem:s26], [sflag:$0x2] =	stream.linear.gather [hbm4b:s21+s2], $0x3200, $0x38;
	[tilespmem:$0x12C00] =	vst v63  }
0x18: {  	_ = 	snop  }
0x19: {  	[tilespmem:s19], [sflag:$0x3] =	stream.linear.gather [hbm4b:s22+s2], $0x3200, $0x38;
	[tilespmem:$0x12C00] =	vst v63  }
0x1a: {  	_ = 	snop  }
0x1b: {  	[tilespmem:s15], [sflag:$0x4] =	stream.linear.gather [hbm4b:s23+s2], $0x3200, $0x38;
	[tilespmem:$0x12C00] =	vst v63  }
0x1c: {  	_ = 	snop  }
0x1d: {  	[tilespmem:s11], [sflag:$0x5] =	stream.linear.gather [hbm4b:s24+s2], $0x3200, $0x38;
	[tilespmem:$0x12C00] =	vst v63  }
0x1e: {  	_ = 	snop  }
0x1f: {  	[tilespmem:s8], [sflag:$0x6] =	stream.linear.gather [hbm4b:s25+s2], $0x3200, $0x38;
	[tilespmem:$0x12C00] =	vst v63  }
0x20: {  	_ =	swait.ge [sflag:s31], $0x3200  }
0x21: {  	[sflag:s31] =	ssyncset.done $0x0  }
0x22: {  	[sflag:s31] =	ssyncadd.s32 $0xFFFFCE00  }
0x23: {  	[hbm4b:s18+s2] =	stream.linear.scatter [tilespmem:s2], [sflag:$0x7], $0x3200, $0x38;
	[tilespmem:$0x12C00] =	vst v63  }
0x24: {  	_ =	swait.ge [sflag:s30], $0x3200  }
0x25: {  	[sflag:s30] =	ssyncset.done $0x0  }
0x26: {  	[sflag:s30] =	ssyncadd.s32 $0xFFFFCE00  }
0x27: {  	[hbm4b:s14+s2] =	stream.linear.scatter [tilespmem:s26], [sflag:$0x8], $0x3200, $0x38;
	[tilespmem:$0x12C00] =	vst v63  }
0x28: {  	_ =	swait.ge [sflag:s29], $0x3200  }
0x29: {  	[sflag:s29] =	ssyncset.done $0x0  }
0x2a: {  	[sflag:s29] =	ssyncadd.s32 $0xFFFFCE00  }
0x2b: {  	[hbm4b:s10+s2] =	stream.linear.scatter [tilespmem:s19], [sflag:$0x9], $0x3200, $0x38;
	[tilespmem:$0x12C00] =	vst v63  }
0x2c: {  	_ =	swait.ge [sflag:s28], $0x3200  }
0x2d: {  	[sflag:s28] =	ssyncset.done $0x0  }
0x2e: {  	[sflag:s28] =	ssyncadd.s32 $0xFFFFCE00  }
0x2f: {  	[hbm4b:s7+s2] =	stream.linear.scatter [tilespmem:s15], [sflag:$0xA], $0x3200, $0x38;
	[tilespmem:$0x12C00] =	vst v63  }
0x30: {  	_ =	swait.ge [sflag:s20], $0x3200  }
0x31: {  	[sflag:s20] =	ssyncset.done $0x0  }
0x32: {  	[sflag:s20] =	ssyncadd.s32 $0xFFFFCE00  }
0x33: {  	[hbm4b:s4+s2] =	stream.linear.scatter [tilespmem:s11], [sflag:$0xB], $0x3200, $0x38;
	[tilespmem:$0x12C00] =	vst v63  }
0x34: {  	_ =	swait.ge [sflag:s16], $0x3200  }
0x35: {  	[sflag:s16] =	ssyncset.done $0x0  }
0x36: {  	[sflag:s16] =	ssyncadd.s32 $0xFFFFCE00  }
0x37: {  	[hbm4b:s3+s2] =	stream.linear.scatter [tilespmem:s8], [sflag:$0xC], $0x3200, $0x38;
	[tilespmem:$0x12C00] =	vst v63  }
0x38: {  	_ =	swait.ge [sflag:s17], $0x3200  }
0x39: {  	[sflag:s17] =	ssyncset.done $0x0  }
0x3a: {  	[sflag:s17] =	ssyncadd.s32 $0xFFFFCE00  }
0x3b: {  	_ =	swait.ge [sflag:s13], $0x3200  }
0x3c: {  	[sflag:s13] =	ssyncset.done $0x0  }
0x3d: {  	[sflag:s13] =	ssyncadd.s32 $0xFFFFCE00  }
0x3e: {  	_ =	swait.ge [sflag:s12], $0x3200  }
0x3f: {  	[sflag:s12] =	ssyncset.done $0x0  }
0x40: {  	[sflag:s12] =	ssyncadd.s32 $0xFFFFCE00  }
0x41: {  	_ =	swait.ge [sflag:s9], $0x3200  }
0x42: {  	[sflag:s9] =	ssyncset.done $0x0  }
0x43: {  	p1 =	sne.s32 s1, $0x1;
	[sflag:s9] =	ssyncadd.s32 $0xFFFFCE00  }
.Ltmp1:
0x44: {  	_ =	swait.ge [sflag:s6], $0x3200;
	(pc) =	sbr.rel @!p1 .LBB2_3-.Ltmp1, $4  }
0x45: {  	[sflag:s6] =	ssyncset.done $0x0  }
0x46: {  	[sflag:s6] =	ssyncadd.s32 $0xFFFFCE00  }
0x47: {  	s1 =	sadd.s32 $0xFFFFFFFF, s1;
	_ =	swait.ge [sflag:s5], $0x3200  }
0x48: {  	p0 =	por $0x1, $0x1;
	s0 =	rddreg [dreg:$0x5];
	[sflag:s5] =	ssyncset.done $0x0  }
.LBB2_2:
0x49: {  	[sflag:s5] =	ssyncadd.s32 $0xFFFFCE00  }
0x4a: {  	[tilespmem:s2], [sflag:$0x1] =	stream.linear.gather [hbm4b:s0+s2], $0x3200, $0x38;
	[tilespmem:$0x12C00] =	vst v63  }
0x4b: {  	_ = 	snop  }
0x4c: {  	[tilespmem:s26], [sflag:$0x2] =	stream.linear.gather [hbm4b:s21+s2], $0x3200, $0x38;
	[tilespmem:$0x12C00] =	vst v63  }
0x4d: {  	_ = 	snop  }
0x4e: {  	[tilespmem:s19], [sflag:$0x3] =	stream.linear.gather [hbm4b:s22+s2], $0x3200, $0x38;
	[tilespmem:$0x12C00] =	vst v63  }
0x4f: {  	_ = 	snop  }
0x50: {  	[tilespmem:s15], [sflag:$0x4] =	stream.linear.gather [hbm4b:s23+s2], $0x3200, $0x38;
	[tilespmem:$0x12C00] =	vst v63  }
0x51: {  	_ = 	snop  }
0x52: {  	[tilespmem:s11], [sflag:$0x5] =	stream.linear.gather [hbm4b:s24+s2], $0x3200, $0x38;
	[tilespmem:$0x12C00] =	vst v63  }
0x53: {  	_ = 	snop  }
0x54: {  	[tilespmem:s8], [sflag:$0x6] =	stream.linear.gather [hbm4b:s25+s2], $0x3200, $0x38;
	[tilespmem:$0x12C00] =	vst v63  }
0x55: {  	_ =	swait.ge [sflag:s31], $0x3200  }
0x56: {  	[sflag:s31] =	ssyncset.done $0x0  }
0x57: {  	[sflag:s31] =	ssyncadd.s32 $0xFFFFCE00  }
0x58: {  	[hbm4b:s18+s2] =	stream.linear.scatter [tilespmem:s2], [sflag:$0x7], $0x3200, $0x38;
	[tilespmem:$0x12C00] =	vst v63  }
0x59: {  	_ =	swait.ge [sflag:s30], $0x3200  }
0x5a: {  	[sflag:s30] =	ssyncset.done $0x0  }
0x5b: {  	[sflag:s30] =	ssyncadd.s32 $0xFFFFCE00  }
0x5c: {  	[hbm4b:s14+s2] =	stream.linear.scatter [tilespmem:s26], [sflag:$0x8], $0x3200, $0x38;
	[tilespmem:$0x12C00] =	vst v63  }
0x5d: {  	_ =	swait.ge [sflag:s29], $0x3200  }
0x5e: {  	[sflag:s29] =	ssyncset.done $0x0  }
0x5f: {  	[sflag:s29] =	ssyncadd.s32 $0xFFFFCE00  }
0x60: {  	[hbm4b:s10+s2] =	stream.linear.scatter [tilespmem:s19], [sflag:$0x9], $0x3200, $0x38;
	[tilespmem:$0x12C00] =	vst v63  }
0x61: {  	_ =	swait.ge [sflag:s28], $0x3200  }
0x62: {  	[sflag:s28] =	ssyncset.done $0x0  }
0x63: {  	[sflag:s28] =	ssyncadd.s32 $0xFFFFCE00  }
0x64: {  	[hbm4b:s7+s2] =	stream.linear.scatter [tilespmem:s15], [sflag:$0xA], $0x3200, $0x38;
	[tilespmem:$0x12C00] =	vst v63  }
0x65: {  	_ =	swait.ge [sflag:s20], $0x3200  }
0x66: {  	[sflag:s20] =	ssyncset.done $0x0  }
0x67: {  	[sflag:s20] =	ssyncadd.s32 $0xFFFFCE00  }
0x68: {  	[hbm4b:s4+s2] =	stream.linear.scatter [tilespmem:s11], [sflag:$0xB], $0x3200, $0x38;
	[tilespmem:$0x12C00] =	vst v63  }
0x69: {  	_ =	swait.ge [sflag:s16], $0x3200  }
0x6a: {  	[sflag:s16] =	ssyncset.done $0x0  }
0x6b: {  	[sflag:s16] =	ssyncadd.s32 $0xFFFFCE00  }
0x6c: {  	[hbm4b:s3+s2] =	stream.linear.scatter [tilespmem:s8], [sflag:$0xC], $0x3200, $0x38;
	[tilespmem:$0x12C00] =	vst v63  }
0x6d: {  	_ =	swait.ge [sflag:s17], $0x3200  }
0x6e: {  	[sflag:s17] =	ssyncset.done $0x0  }
0x6f: {  	[sflag:s17] =	ssyncadd.s32 $0xFFFFCE00  }
0x70: {  	_ =	swait.ge [sflag:s13], $0x3200  }
0x71: {  	[sflag:s13] =	ssyncset.done $0x0  }
0x72: {  	[sflag:s13] =	ssyncadd.s32 $0xFFFFCE00  }
0x73: {  	_ =	swait.ge [sflag:s12], $0x3200  }
0x74: {  	[sflag:s12] =	ssyncset.done $0x0  }
0x75: {  	[sflag:s12] =	ssyncadd.s32 $0xFFFFCE00  }
0x76: {  	_ =	swait.ge [sflag:s9], $0x3200  }
0x77: {  	[sflag:s9] =	ssyncset.done $0x0  }
0x78: {  	p1 =	sne.s32 s1, $0x1;
	[sflag:s9] =	ssyncadd.s32 $0xFFFFCE00  }
.Ltmp2:
0x79: {  	_ =	swait.ge [sflag:s6], $0x3200;
	(pc) =	sbr.rel @p1 .LBB2_2-.Ltmp2, $4  }
0x7a: {  	[sflag:s6] =	ssyncset.done $0x0  }
0x7b: {  	[sflag:s6] =	ssyncadd.s32 $0xFFFFCE00  }
0x7c: {  	_ =	swait.ge [sflag:s5], $0x3200  }
0x7d: {  	s1 =	sadd.s32 $0xFFFFFFFF, s1;
	s0 =	rddreg [dreg:$0x5];
	[sflag:s5] =	ssyncset.done $0x0  }
.LBB2_3:
0x7e: {  	[sflag:s5] =	ssyncadd.s32 @p0 $0xFFFFCE00  }
0x7f: {  	[tilespmem:s2], [sflag:$0x1] =	stream.linear.gather [hbm4b:s0+s2], $0x3200, $0x38;
	[tilespmem:$0x12C00] =	vst v63  }
0x80: {  	_ = 	snop  }
0x81: {  	[tilespmem:s26], [sflag:$0x2] =	stream.linear.gather [hbm4b:s21+s2], $0x3200, $0x38;
	[tilespmem:$0x12C00] =	vst v63  }
0x82: {  	_ = 	snop  }
0x83: {  	[tilespmem:s19], [sflag:$0x3] =	stream.linear.gather [hbm4b:s22+s2], $0x3200, $0x38;
	[tilespmem:$0x12C00] =	vst v63  }
0x84: {  	_ = 	snop  }
0x85: {  	[tilespmem:s15], [sflag:$0x4] =	stream.linear.gather [hbm4b:s23+s2], $0x3200, $0x38;
	[tilespmem:$0x12C00] =	vst v63  }
0x86: {  	_ = 	snop  }
0x87: {  	[tilespmem:s11], [sflag:$0x5] =	stream.linear.gather [hbm4b:s24+s2], $0x3200, $0x38;
	[tilespmem:$0x12C00] =	vst v63  }
0x88: {  	_ = 	snop  }
0x89: {  	[tilespmem:s8], [sflag:$0x6] =	stream.linear.gather [hbm4b:s25+s2], $0x3200, $0x38;
	[tilespmem:$0x12C00] =	vst v63  }
0x8a: {  	_ =	swait.ge [sflag:s31], $0x3200  }
0x8b: {  	[sflag:s31] =	ssyncset.done $0x0  }
0x8c: {  	[sflag:s31] =	ssyncadd.s32 $0xFFFFCE00  }
0x8d: {  	[hbm4b:s18+s2] =	stream.linear.scatter [tilespmem:s2], [sflag:$0x7], $0x3200, $0x38;
	[tilespmem:$0x12C00] =	vst v63  }
0x8e: {  	_ =	swait.ge [sflag:s30], $0x3200  }
0x8f: {  	[sflag:s30] =	ssyncset.done $0x0  }
0x90: {  	[sflag:s30] =	ssyncadd.s32 $0xFFFFCE00  }
0x91: {  	[hbm4b:s14+s2] =	stream.linear.scatter [tilespmem:s26], [sflag:$0x8], $0x3200, $0x38;
	[tilespmem:$0x12C00] =	vst v63  }
0x92: {  	_ =	swait.ge [sflag:s29], $0x3200  }
0x93: {  	[sflag:s29] =	ssyncset.done $0x0  }
0x94: {  	[sflag:s29] =	ssyncadd.s32 $0xFFFFCE00  }
0x95: {  	[hbm4b:s10+s2] =	stream.linear.scatter [tilespmem:s19], [sflag:$0x9], $0x3200, $0x38;
	[tilespmem:$0x12C00] =	vst v63  }
0x96: {  	_ =	swait.ge [sflag:s28], $0x3200  }
0x97: {  	[sflag:s28] =	ssyncset.done $0x0  }
0x98: {  	[sflag:s28] =	ssyncadd.s32 $0xFFFFCE00  }
0x99: {  	[hbm4b:s7+s2] =	stream.linear.scatter [tilespmem:s15], [sflag:$0xA], $0x3200, $0x38;
	[tilespmem:$0x12C00] =	vst v63  }
0x9a: {  	_ =	swait.ge [sflag:s20], $0x3200  }
0x9b: {  	[sflag:s20] =	ssyncset.done $0x0  }
0x9c: {  	[sflag:s20] =	ssyncadd.s32 $0xFFFFCE00  }
0x9d: {  	[hbm4b:s4+s2] =	stream.linear.scatter [tilespmem:s11], [sflag:$0xB], $0x3200, $0x38;
	[tilespmem:$0x12C00] =	vst v63  }
0x9e: {  	_ =	swait.ge [sflag:s16], $0x3200  }
0x9f: {  	[sflag:s16] =	ssyncset.done $0x0  }
0xa0: {  	[sflag:s16] =	ssyncadd.s32 $0xFFFFCE00  }
0xa1: {  	[hbm4b:s3+s2] =	stream.linear.scatter [tilespmem:s8], [sflag:$0xC], $0x3200, $0x38;
	[tilespmem:$0x12C00] =	vst v63  }
0xa2: {  	_ =	swait.ge [sflag:s17], $0x3200  }
0xa3: {  	[sflag:s17] =	ssyncset.done $0x0  }
0xa4: {  	[sflag:s17] =	ssyncadd.s32 $0xFFFFCE00  }
0xa5: {  	_ =	swait.ge [sflag:s13], $0x3200  }
0xa6: {  	[sflag:s13] =	ssyncset.done $0x0  }
0xa7: {  	[sflag:s13] =	ssyncadd.s32 $0xFFFFCE00  }
0xa8: {  	_ =	swait.ge [sflag:s12], $0x3200  }
0xa9: {  	[sflag:s12] =	ssyncset.done $0x0  }
0xaa: {  	[sflag:s12] =	ssyncadd.s32 $0xFFFFCE00  }
0xab: {  	_ =	swait.ge [sflag:s9], $0x3200  }
0xac: {  	[sflag:s9] =	ssyncset.done $0x0  }
0xad: {  	[sflag:s9] =	ssyncadd.s32 $0xFFFFCE00  }
0xae: {  	_ =	swait.ge [sflag:s6], $0x3200  }
0xaf: {  	[sflag:s6] =	ssyncset.done $0x0  }
0xb0: {  	[sflag:s6] =	ssyncadd.s32 $0xFFFFCE00  }
0xb1: {  	_ =	swait.ge [sflag:s5], $0x3200  }
0xb2: {  	[sflag:s5] =	ssyncset.done $0x0  }
0xb3: {  	[sflag:s5] =	ssyncadd.s32 $0xFFFFCE00  }
0xb4: {  	_ =	sfence.sel $0x180000  }
0xb5: {  	[bflag:$0x0] =	sbarrier.arrive $0xFFFF  }
0xb6: {  	_ =	strace $0x90000047  }
0xb7: {  	s31 =	stileid.u32;
	[bflag:$0x2] =	sbarrier.arrive $0xFFFF  }
0xb8: {  	p0 =	sne.s32 s31, $0x0;
	s0 =	rddreg [dreg:$0x4]  }
0xb9: {  	s0 =	sadd.s32 @!p0 $0x100000, s0  }
0xba: {  	[sflag:s0] =	ssyncadd.tile.s32 @!p0 $0x1;
	_ =	shalt  }
.Lfunc_end2:
_tile_overlayer_lowered:
.L_overlay_start_2:
0xbb: {  	(tag) =	ssettag $0x2  }
0xbc: {  	s0 =	rddreg [dreg:$0x0];
	s2 =	stileid.u32  }
0xbd: {  	s1 =	rddreg [dreg:$0x1];
	p0 =	sne.s32 s2, $0x0  }
0xbe: {  	s3 =	rddreg [dreg:$0x2];
	[bflag:$0x3] =	sbarrier.arrive $0xFFFF;
	s2 =	simm.s32 @!p0 $0x1C0D  }
0xbf: {  	[timem:s3], [sflag:s2] =	dma.local @!p0 [hbm:s0], s1  }
0xc0: {  	s0 =	simm.s32 @!p0 $0xD  }
0xc1: {  	_ =	swait.ge @!p0 [sflag:s0], s1  }
0xc2: {  	s1 =	ssub.s32 @!p0 $0x0, s1;
	[sflag:s0] =	ssyncset.done @!p0 $0x0  }
0xc3: {  	[sflag:s0] =	ssyncadd.s32 @!p0 s1  }
0xc4: {  	[bflag:$0x3] =	sbarrier.arrive $0xFFFF  }
0xc5: {  	_ =	shalt  }

</sc_bundles>
